<compile_context>
chip_gen: v7x
topology: tpu7x:2x2x1
jax: 0.10.2.dev20260603
libtpu: 0.0.44.dev20260713+nightly
codegen_flags: <defaults>
</compile_context>

<pallas_src>
import jax
import jax.numpy as jnp
from jax.experimental import pallas as pl

_N = 8192
_WS = 64
_ALPHA = 3.0
_K = 32
_R = 256

def _mk_kernel(e1_ref, e2_ref, l1w_ref, l1b_ref, l2w_ref, l2b_ref,
               m1_ref, m2_ref):
    m1_ref[...] = jnp.tanh(_ALPHA * (
        jax.lax.dot_general(e1_ref[...], l1w_ref[...],
                            (((1,), (1,)), ((), ())),
                            preferred_element_type=jnp.float32)
        + l1b_ref[...]))
    m2_ref[...] = jnp.tanh(_ALPHA * (
        jax.lax.dot_general(e2_ref[...], l2w_ref[...],
                            (((1,), (1,)), ((), ())),
                            preferred_element_type=jnp.float32)
        + l2b_ref[...]))


def _adj_kernel(m1_ref, m2_ref, out_ref):
    a = jax.lax.dot_general(m1_ref[...], m2_ref[...],
                            (((1,), (1,)), ((), ())),
                            preferred_element_type=jnp.float32)
    adj = jnp.maximum(jnp.tanh(_ALPHA * a), 0.0)
    t = adj
    bits = jax.lax.bitcast_convert_type(t, jnp.int32)
    rows, cols = t.shape

    lo = jnp.zeros((rows, 1), jnp.int32)
    hi = jnp.full((rows, 1), 0x7F800000, jnp.int32)

    def vbody(_, carry):
        lo, hi = carry
        mid = lo + (hi - lo) // 2
        cnt = jnp.sum((bits >= mid).astype(jnp.int32), axis=1, keepdims=True)
        ge = cnt >= _K
        return jnp.where(ge, mid, lo), jnp.where(ge, hi, mid)

    lo, hi = jax.lax.fori_loop(0, 0, vbody, (lo, hi))
    thr = lo

    strictly = bits >= thr + 1
    eq = bits == thr
    need = _K - jnp.sum(strictly.astype(jnp.int32), axis=1, keepdims=True)
    col = jax.lax.broadcasted_iota(jnp.int32, t.shape, 1)
    lo2 = jnp.full((rows, 1), -1, jnp.int32)
    hi2 = jnp.full((rows, 1), cols - 1, jnp.int32)

    def ibody(_, carry):
        lo2, hi2 = carry
        mid = lo2 + (hi2 - lo2) // 2
        cnt = jnp.sum((eq & (col <= mid)).astype(jnp.int32),
                      axis=1, keepdims=True)
        ok = cnt >= need
        return jnp.where(ok, lo2, mid), jnp.where(ok, mid, hi2)

    n_ibits = max(1, (cols - 1).bit_length())
    lo2, hi2 = jax.lax.fori_loop(0, 0, ibody, (lo2, hi2))

    mask = strictly | (eq & (col <= hi2))
    out_ref[...] = jnp.where(mask, adj, 0.0)


def kernel(idx, e1_w, e2_w, l1_w, l1_b, l2_w, l2_b):
    e1 = jnp.take(e1_w, idx, axis=0)
    e2 = jnp.take(e2_w, idx, axis=0)
    noise01 = jax.random.uniform(
        jax.random.key(42), (_N, _N), dtype=jnp.float32) * 0.01
    m1, m2 = pl.pallas_call(
        _mk_kernel,
        out_shape=[jax.ShapeDtypeStruct((_N, _WS), jnp.float32)] * 2,
    )(e1, e2, l1_w, l1_b.reshape(1, _WS), l2_w, l2_b.reshape(1, _WS))
    out = pl.pallas_call(
        _adj_kernel,
        grid=(_N // _R,),
        in_specs=[
            pl.BlockSpec((_R, _WS), lambda i: (i, 0)),
            pl.BlockSpec((_N, _WS), lambda i: (0, 0)),
        ],
        out_specs=pl.BlockSpec((_R, _N), lambda i: (i, 0)),
        out_shape=jax.ShapeDtypeStruct((_N, _N), jnp.float32),
    )(m1, m2)
    return out

# --- scband reference (transcript-rebuilt; emitter-appended) ---
"""Pipeline reference for scband-gsl-64407329571642 (READ-ONLY COPY).

The authoritative reference and input builder live on the scoring server;
editing this copy changes nothing except your own understanding.
"""

import jax, jax.numpy as jnp
import numpy as np

N = 8192
WS = 64
ALPHA = 3.0
K = 32

def setup_inputs(seed: int = 0) -> dict:
    key = jax.random.key(seed)
    k0, k1, k2, k3, k4, k5 = jax.random.split(key, 6)
    idx = jnp.arange(N, dtype=jnp.int32)
    # nn.Embedding default init: N(0, 1)
    e1_w = jax.random.normal(k0, (N, WS), dtype=jnp.float32)
    e2_w = jax.random.normal(k1, (N, WS), dtype=jnp.float32)
    # nn.Linear default init: U(-1/sqrt(fan_in), 1/sqrt(fan_in))
    b = 1.0 / np.sqrt(WS)
    l1_w = jax.random.uniform(k2, (WS, WS), minval=-b, maxval=b, dtype=jnp.float32)
    l1_b = jax.random.uniform(k3, (WS,), minval=-b, maxval=b, dtype=jnp.float32)
    l2_w = jax.random.uniform(k4, (WS, WS), minval=-b, maxval=b, dtype=jnp.float32)
    l2_b = jax.random.uniform(k5, (WS,), minval=-b, maxval=b, dtype=jnp.float32)
    return {"idx": idx, "e1_w": e1_w, "e2_w": e2_w, "l1_w": l1_w, "l1_b": l1_b, "l2_w": l2_w, "l2_b": l2_b}

def reference(idx, e1_w, e2_w, l1_w, l1_b, l2_w, l2_b):
    # Graph_Directed_A forward
    m1 = jnp.tanh(ALPHA * (jnp.take(e1_w, idx, axis=0) @ l1_w.T + l1_b))
    m2 = jnp.tanh(ALPHA * (jnp.take(e2_w, idx, axis=0) @ l2_w.T + l2_b))
    adj = jax.nn.relu(jnp.tanh(ALPHA * (m1 @ m2.T)))
    # top-k per row with random tie-breaking noise, then binary mask scatter
    noise = jax.random.uniform(jax.random.key(42), adj.shape, dtype=jnp.float32) * 0.01
    _, top_idx = jax.lax.top_k(adj + noise, K)
    rows = jnp.arange(adj.shape[0])[:, None]
    mask = jnp.zeros_like(adj).at[rows, top_idx].set(1.0)
    return adj * mask

if __name__ == "__main__":
    import jax
    _d = setup_inputs()
    print(jax.jit(kernel)(*tuple(_d.values())))

</pallas_src>

<mosaic_0001>
module attributes {stable_mosaic.version = 14 : i64} {
  func.func @_mk_kernel(%arg0: memref<8192x64xf32, #tpu.memory_space<vmem>>, %arg1: memref<8192x64xf32, #tpu.memory_space<vmem>>, %arg2: memref<64x64xf32, #tpu.memory_space<vmem>>, %arg3: memref<1x64xf32, #tpu.memory_space<vmem>>, %arg4: memref<64x64xf32, #tpu.memory_space<vmem>>, %arg5: memref<1x64xf32, #tpu.memory_space<vmem>>, %arg6: memref<8192x64xf32, #tpu.memory_space<vmem>>, %arg7: memref<8192x64xf32, #tpu.memory_space<vmem>>) attributes {dimension_semantics = [], scalar_prefetch = 0 : i64, scratch_operands = 0 : i64, tpu.core_type = #tpu.core_type<tc>} {
    %get3A = arith.constant 0 : index
    %get3A_0 = arith.constant 0 : index
    %get3A_1 = vector.load %arg0[%get3A, %get3A_0] : memref<8192x64xf32, #tpu.memory_space<vmem>>, vector<8192x64xf32>
    %get3A_2 = arith.constant 0 : index
    %get3A_3 = arith.constant 0 : index
    %get3A_4 = vector.load %arg2[%get3A_2, %get3A_3] : memref<64x64xf32, #tpu.memory_space<vmem>>, vector<64x64xf32>
    %dot_general3A = arith.constant dense<0.000000e+00> : vector<8192x64xf32>
    %dot_general3A_5 = tpu.matmul %get3A_1, %get3A_4, %dot_general3A {dimension_numbers = #tpu.dot_dimension_numbers<[1], [1], [0], [0], [0, 0, 1, 0], [], []>, transpose_lhs_hint = false} : vector<8192x64xf32>, vector<64x64xf32>, vector<8192x64xf32> -> vector<8192x64xf32>
    %get3A_6 = arith.constant 0 : index
    %get3A_7 = arith.constant 0 : index
    %get3A_8 = vector.load %arg3[%get3A_6, %get3A_7] : memref<1x64xf32, #tpu.memory_space<vmem>>, vector<1x64xf32>
    %add3A = vector.broadcast %get3A_8 : vector<1x64xf32> to vector<8192x64xf32>
    %add3A_9 = arith.addf %dot_general3A_5, %add3A : vector<8192x64xf32>
    %mul3A = arith.constant 3.000000e+00 : f32
    %mul3A_10 = vector.broadcast %mul3A : f32 to vector<8192x64xf32>
    %mul3A_11 = arith.mulf %mul3A_10, %add3A_9 : vector<8192x64xf32>
    %tanh3A = math.tanh %mul3A_11 : vector<8192x64xf32>
    %swap3A = arith.constant 0 : index
    %swap3A_12 = arith.constant 0 : index
    %swap3A_13 = vector.load %arg6[%swap3A, %swap3A_12] : memref<8192x64xf32, #tpu.memory_space<vmem>>, vector<8192x64xf32>
    tpu.vector_store %arg6[%swap3A, %swap3A_12], %tanh3A {strides = array<i32>} : memref<8192x64xf32, #tpu.memory_space<vmem>>, vector<8192x64xf32>,
    %get3A_14 = arith.constant 0 : index
    %get3A_15 = arith.constant 0 : index
    %get3A_16 = vector.load %arg1[%get3A_14, %get3A_15] : memref<8192x64xf32, #tpu.memory_space<vmem>>, vector<8192x64xf32>
    %get3A_17 = arith.constant 0 : index
    %get3A_18 = arith.constant 0 : index
    %get3A_19 = vector.load %arg4[%get3A_17, %get3A_18] : memref<64x64xf32, #tpu.memory_space<vmem>>, vector<64x64xf32>
    %dot_general3A_20 = arith.constant dense<0.000000e+00> : vector<8192x64xf32>
    %dot_general3A_21 = tpu.matmul %get3A_16, %get3A_19, %dot_general3A_20 {dimension_numbers = #tpu.dot_dimension_numbers<[1], [1], [0], [0], [0, 0, 1, 0], [], []>, transpose_lhs_hint = false} : vector<8192x64xf32>, vector<64x64xf32>, vector<8192x64xf32> -> vector<8192x64xf32>
    %get3A_22 = arith.constant 0 : index
    %get3A_23 = arith.constant 0 : index
    %get3A_24 = vector.load %arg5[%get3A_22, %get3A_23] : memref<1x64xf32, #tpu.memory_space<vmem>>, vector<1x64xf32>
    %add3A_25 = vector.broadcast %get3A_24 : vector<1x64xf32> to vector<8192x64xf32>
    %add3A_26 = arith.addf %dot_general3A_21, %add3A_25 : vector<8192x64xf32>
    %mul3A_27 = arith.constant 3.000000e+00 : f32
    %mul3A_28 = vector.broadcast %mul3A_27 : f32 to vector<8192x64xf32>
    %mul3A_29 = arith.mulf %mul3A_28, %add3A_26 : vector<8192x64xf32>
    %tanh3A_30 = math.tanh %mul3A_29 : vector<8192x64xf32>
    %swap3A_31 = arith.constant 0 : index
    %swap3A_32 = arith.constant 0 : index
    %swap3A_33 = vector.load %arg7[%swap3A_31, %swap3A_32] : memref<8192x64xf32, #tpu.memory_space<vmem>>, vector<8192x64xf32>
    tpu.vector_store %arg7[%swap3A_31, %swap3A_32], %tanh3A_30 {strides = array<i32>} : memref<8192x64xf32, #tpu.memory_space<vmem>>, vector<8192x64xf32>,
    return
  }
}

module attributes {stable_mosaic.version = 14 : i64} {
  func.func @_adj_kernel(%arg0: i32, %arg1: memref<256x64xf32, #tpu.memory_space<vmem>>, %arg2: memref<8192x64xf32, #tpu.memory_space<vmem>>, %arg3: memref<256x8192xf32, #tpu.memory_space<vmem>>) attributes {dimension_semantics = [#tpu.dimension_semantics<arbitrary>], iteration_bounds = array<i64: 32>, scalar_prefetch = 0 : i64, scratch_operands = 0 : i64, tpu.core_type = #tpu.core_type<tc>, window_params = [{transform_indices = @transform_0, window_bounds = array<i64: 256, 64>}, {pipeline_mode = #tpu.pipeline_mode<synchronous>, transform_indices = @transform_1, window_bounds = array<i64: 8192, 64>}, {transform_indices = @transform_2, window_bounds = array<i64: 256, 8192>}]} {
    %get3A = arith.constant 0 : index
    %get3A_0 = arith.constant 0 : index
    %get3A_1 = vector.load %arg1[%get3A, %get3A_0] : memref<256x64xf32, #tpu.memory_space<vmem>>, vector<256x64xf32>
    %get3A_2 = arith.constant 0 : index
    %get3A_3 = arith.constant 0 : index
    %get3A_4 = vector.load %arg2[%get3A_2, %get3A_3] : memref<8192x64xf32, #tpu.memory_space<vmem>>, vector<8192x64xf32>
    %dot_general3A = arith.constant dense<0.000000e+00> : vector<256x8192xf32>
    %dot_general3A_5 = tpu.matmul %get3A_1, %get3A_4, %dot_general3A {dimension_numbers = #tpu.dot_dimension_numbers<[1], [1], [0], [0], [0, 0, 1, 0], [], []>, transpose_lhs_hint = false} : vector<256x64xf32>, vector<8192x64xf32>, vector<256x8192xf32> -> vector<256x8192xf32>
    %mul3A = arith.constant 3.000000e+00 : f32
    %mul3A_6 = vector.broadcast %mul3A : f32 to vector<256x8192xf32>
    %mul3A_7 = arith.mulf %mul3A_6, %dot_general3A_5 : vector<256x8192xf32>
    %tanh3A = math.tanh %mul3A_7 : vector<256x8192xf32>
    %max3A = arith.constant 0.000000e+00 : f32
    %max3A_8 = vector.broadcast %max3A : f32 to vector<256x8192xf32>
    %max3A_9 = arith.maximumf %tanh3A, %max3A_8 : vector<256x8192xf32>
    %bitcast_convert_type3A = tpu.bitcast %max3A_9 : vector<256x8192xf32> -> vector<256x8192xi32>
    %broadcast_in_dim3A = arith.constant 0 : i32
    %broadcast_in_dim3A_10 = vector.broadcast %broadcast_in_dim3A : i32 to vector<256x1xi32>
    %broadcast_in_dim3A_11 = arith.constant 2139095040 : i32
    %broadcast_in_dim3A_12 = vector.broadcast %broadcast_in_dim3A_11 : i32 to vector<256x1xi32>
    %scan3A = arith.constant 0 : i32
    %scan3A_13 = arith.constant 0 : i32
    %scan3A_14 = arith.addi %scan3A, %scan3A_13 : i32
    %add3A = arith.constant 1 : i32
    %add3A_15 = vector.broadcast %add3A : i32 to vector<256x1xi32>
    %add3A_16 = arith.addi %broadcast_in_dim3A_10, %add3A_15 : vector<256x1xi32>
    %ge3A = vector.broadcast %add3A_16 : vector<256x1xi32> to vector<256x8192xi32>
    %ge3A_17 = arith.cmpi sge, %bitcast_convert_type3A, %ge3A : vector<256x8192xi32>
    %eq3A = vector.broadcast %broadcast_in_dim3A_10 : vector<256x1xi32> to vector<256x8192xi32>
    %eq3A_18 = arith.cmpi eq, %bitcast_convert_type3A, %eq3A : vector<256x8192xi32>
    %convert_element_type3A = arith.extui %ge3A_17 : vector<256x8192xi1> to vector<256x8192xi32>
    %reduce_sum3A = arith.constant dense<0> : vector<256xi32>
    %reduce_sum3A_19 = vector.multi_reduction <add>, %convert_element_type3A, %reduce_sum3A [1] : vector<256x8192xi32> to vector<256xi32>
    %broadcast_in_dim3A_20 = vector.shape_cast %reduce_sum3A_19 : vector<256xi32> to vector<256x1xi32>
    %sub3A = arith.constant 32 : i32
    %sub3A_21 = vector.broadcast %sub3A : i32 to vector<256x1xi32>
    %sub3A_22 = arith.subi %sub3A_21, %broadcast_in_dim3A_20 : vector<256x1xi32>
    %iota3A = tpu.iota {dimensions = array<i32: 1>} : vector<256x8192xi32>
    %broadcast_in_dim3A_23 = arith.constant -1 : i32
    %broadcast_in_dim3A_24 = vector.broadcast %broadcast_in_dim3A_23 : i32 to vector<256x1xi32>
    %broadcast_in_dim3A_25 = arith.constant 8191 : i32
    %broadcast_in_dim3A_26 = vector.broadcast %broadcast_in_dim3A_25 : i32 to vector<256x1xi32>
    %scan3A_27 = arith.constant 0 : i32
    %scan3A_28 = arith.constant 0 : i32
    %scan3A_29 = arith.addi %scan3A_27, %scan3A_28 : i32
    %le3A = vector.broadcast %broadcast_in_dim3A_26 : vector<256x1xi32> to vector<256x8192xi32>
    %le3A_30 = arith.cmpi sle, %iota3A, %le3A : vector<256x8192xi32>
    %and3A = arith.andi %eq3A_18, %le3A_30 : vector<256x8192xi1>
    %or3A = arith.ori %ge3A_17, %and3A : vector<256x8192xi1>
    %jit3A = arith.constant 0.000000e+00 : f32
    %broadcast_in_dim3A_31 = vector.broadcast %jit3A : f32 to vector<256x8192xf32>
    %select_n3A = arith.select %or3A, %max3A_9, %broadcast_in_dim3A_31 : vector<256x8192xi1>, vector<256x8192xf32>
    %swap3A = arith.constant 0 : index
    %swap3A_32 = arith.constant 0 : index
    %swap3A_33 = vector.load %arg3[%swap3A, %swap3A_32] : memref<256x8192xf32, #tpu.memory_space<vmem>>, vector<256x8192xf32>
    tpu.vector_store %arg3[%swap3A, %swap3A_32], %select_n3A {strides = array<i32>} : memref<256x8192xf32, #tpu.memory_space<vmem>>, vector<256x8192xf32>,
    return
  }
  func.func @transform_0(%arg0: i32) -> (i32, i32) {
    %c0_i32 = arith.constant 0 : i32
    %c0_i32_0 = arith.constant 0 : i32
    return %arg0, %c0_i32 : i32, i32
  }
  func.func @transform_1(%arg0: i32) -> (i32, i32) {
    %c0_i32 = arith.constant 0 : i32
    %c0_i32_0 = arith.constant 0 : i32
    %c0_i32_1 = arith.constant 0 : i32
    return %c0_i32, %c0_i32_0 : i32, i32
  }
  func.func @transform_2(%arg0: i32) -> (i32, i32) {
    %c0_i32 = arith.constant 0 : i32
    %c0_i32_0 = arith.constant 0 : i32
    return %arg0, %c0_i32 : i32, i32
  }
}

</mosaic_0001>

<sc_bundles>
// kernel: gather_offload_async_start.1
scs
__scs_entry_jumppad:
0x0: {  	(pc) =	sbr.rel $0x88, $3  }
0x1: {  	(tag) =	ssettag $0x0;
	lr =	simm.s32 $0x1  }
0x2: {  	[smem:$0x3F9A] =	sst lr;
	_ =	strace $0xD0000000  }
0x3: {  	_ = 	snop  }
0x4: {  	_ = 	snop  }
0x5: {  	_ = 	snop  }
0x6: {  	_ = 	snop  }
0x7: {  	_ = 	snop  }
__scs_overlays_trampoline_lowered:
0x8: {  	[smem:$0x3FA9] =	sst s0  }
0x9: {  	[smem:$0x3FAA] =	sst s1  }
0xa: {  	[smem:$0x3FAB] =	sst s2  }
0xb: {  	[smem:$0x3FAC] =	sst s3  }
0xc: {  	[smem:$0x3FAD] =	sst s4  }
0xd: {  	[smem:$0x3FAE] =	sst s5  }
0xe: {  	[smem:$0x3FAF] =	sst s6  }
0xf: {  	[smem:$0x3FB0] =	sst s7  }
0x10: {  	[smem:$0x3FB1] =	sst s8  }
0x11: {  	[smem:$0x3FB2] =	sst s9;
	s0 =	simm.s32 @!p0 $0x0  }
0x12: {  	s1 =	sld [smem:$0x3F98];
	s0 =	simm.s32 @p0 $0x1  }
0x13: {  	[smem:$0x3FB3] =	sst s0;
	s0 =	simm.s32 @!p1 $0x0  }
0x14: {  	s2 =	sld [smem:$0x3F97];
	s0 =	simm.s32 @p1 $0x1  }
0x15: {  	[smem:$0x3FB4] =	sst s0;
	s0 =	simm.s32 @!p2 $0x0  }
0x16: {  	s3 =	sld [smem:$0x3FDB];
	s0 =	simm.s32 @p2 $0x1  }
0x17: {  	s4 =	simm.s32 $0x1BF5;
	[smem:$0x3FB6] =	sst s0  }
0x18: {  	s0 =	sld [smem:$0x3F99];
	_ =	swait.ge [sflag:s4], $0x0  }
0x19: {  	s7 =	sld [smem:$0x3F9A]  }
0x1a: {  	s8 =	sadd.s32 $0xFFFFE003, lr  }
0x1b: {  	s9 =	sadd.s32 $0xFFFFFEF7, lr;
	s5 =	simm.s32 $0xFFFFFFFF;
	p2 =	slt.u32 s8, $0xFFFFF086  }
0x1c: {  	p1 =	slt.u32 s9, $0xF7A;
	s5 =	simm.s32 @!p2 $0x0  }
0x1d: {  	s5 =	simm.s32 @p1 $0x1;
	p0 =	seq.s32 s7, s2  }
0x1e: {  	s7 =	smul.u32 @!p0 $0xF7A, s2;
	p2 =	seq.s32 @!p0 s5, $0x0  }
0x1f: {  	s9 =	smul.u32 $0xF7A, s1;
	s8 =	simm.s32 @!p0 $0x1BF5;
	p2 =	por !p2, p0  }
0x20: {  	[sflag:s8] =	ssyncset.s32 @!p0 $0xFFFFF086;
	s6 =	sadd.s32 @!p0 s3, s7;
	s7 =	simm.s32 @!p0 $0x108  }
0x21: {  	s3 =	sadd.s32 s3, s9;
	s6 =	sadd.s32 @!p0 $0x88, s6;
	s7 =	simm.s32 @p2 $0x1082  }
0x22: {  	[simem:s7], [sflag:s8] =	dma.local @!p0 [hbm:s6], $0xF7A  }
0x23: {  	s9 =	sor.u32 $0xD0000000, s2;
	s6 =	simm.s32 $0x108;
	_ =	swait.ge @!p0 [sflag:s8], $0x0  }
0x24: {  	s3 =	sadd.s32 $0x88, s3;
	s6 =	simm.s32 @!p1 $0x1082;
	[sflag:s4] =	ssyncset.s32 $0xFFFFF086  }
0x25: {  	[simem:s6], [sflag:s4] =	dma.local [hbm:s3], $0xF7A  }
0x26: {  	[smem:$0x3F9A] =	sst s1;
	(tag) =	ssettag s2;
	_ =	strace s9  }
0x27: {  	s1 =	sld [smem:$0x3FAA]  }
0x28: {  	s2 =	sld [smem:$0x3FAB]  }
0x29: {  	s4 =	sld [smem:$0x3FAD]  }
0x2a: {  	p0 =	seq.s32 s5, $0x0;
	s5 =	sld [smem:$0x3FAE]  }
0x2b: {  	s6 =	sld [smem:$0x3FAF]  }
0x2c: {  	s7 =	sld [smem:$0x3FB0]  }
0x2d: {  	s3 =	simm.s32 $0x108;
	s8 =	sld [smem:$0x3FB1]  }
0x2e: {  	s3 =	simm.s32 @!p0 $0x1082;
	s9 =	sld [smem:$0x3FB2]  }
0x2f: {  	lr =	sadd.s32 s0, s3;
	s0 =	sld [smem:$0x3FA9]  }
0x30: {  	s3 =	sld [smem:$0x3FAC]  }
0x31: {  	[smem:$0x3FB5] =	sst s10  }
0x32: {  	s10 =	sld [smem:$0x3FB3];
	_ =	sdelay $0x3  }
0x33: {  	p0 =	seq.s32 s10, $0x1;
	s10 =	sld [smem:$0x3FB5];
	_ =	sdelay $0x3  }
0x34: {  	[smem:$0x3FB5] =	sst s10  }
0x35: {  	s10 =	sld [smem:$0x3FB4];
	_ =	sdelay $0x3  }
0x36: {  	p1 =	seq.s32 s10, $0x1;
	s10 =	sld [smem:$0x3FB5];
	_ =	sdelay $0x3  }
0x37: {  	[smem:$0x3FB5] =	sst s10  }
0x38: {  	s10 =	sld [smem:$0x3FB6]  }
0x39: {  	_ = 	snop;
	(pc) =	sbr.ind lr, $3  }
0x3a: {  	_ = 	snop  }
0x3b: {  	_ = 	snop  }
0x3c: {  	p2 =	seq.s32 s10, $0x1;
	s10 =	sld [smem:$0x3FB5]  }
0x3d: {  	_ =	shalt  }
0x3e: {  	_ =	shalt  }
0x3f: {  	_ =	shalt  }
0x40: {  	_ =	shalt  }
0x41: {  	_ =	shalt  }
0x42: {  	_ =	shalt  }
0x43: {  	_ =	shalt  }
0x44: {  	_ =	shalt  }
0x45: {  	_ =	shalt  }
0x46: {  	_ =	shalt  }
0x47: {  	_ =	shalt  }
0x48: {  	_ =	shalt  }
0x49: {  	_ =	shalt  }
0x4a: {  	_ =	shalt  }
0x4b: {  	_ =	shalt  }
0x4c: {  	_ =	shalt  }
0x4d: {  	_ =	shalt  }
0x4e: {  	_ =	shalt  }
0x4f: {  	_ =	shalt  }
0x50: {  	_ =	shalt  }
0x51: {  	_ =	shalt  }
0x52: {  	_ =	shalt  }
0x53: {  	_ =	shalt  }
0x54: {  	_ =	shalt  }
0x55: {  	_ =	shalt  }
0x56: {  	_ =	shalt  }
0x57: {  	_ =	shalt  }
0x58: {  	_ =	shalt  }
0x59: {  	_ =	shalt  }
0x5a: {  	_ =	shalt  }
0x5b: {  	_ =	shalt  }
0x5c: {  	_ =	shalt  }
0x5d: {  	_ =	shalt  }
0x5e: {  	_ =	shalt  }
0x5f: {  	_ =	shalt  }
0x60: {  	_ =	shalt  }
0x61: {  	_ =	shalt  }
0x62: {  	_ =	shalt  }
0x63: {  	_ =	shalt  }
0x64: {  	_ =	shalt  }
0x65: {  	_ =	shalt  }
0x66: {  	_ =	shalt  }
0x67: {  	_ =	shalt  }
0x68: {  	_ =	shalt  }
0x69: {  	_ =	shalt  }
0x6a: {  	_ =	shalt  }
0x6b: {  	_ =	shalt  }
0x6c: {  	_ =	shalt  }
0x6d: {  	_ =	shalt  }
0x6e: {  	_ =	shalt  }
0x6f: {  	_ =	shalt  }
0x70: {  	_ =	shalt  }
0x71: {  	_ =	shalt  }
0x72: {  	_ =	shalt  }
0x73: {  	_ =	shalt  }
0x74: {  	_ =	shalt  }
0x75: {  	_ =	shalt  }
0x76: {  	_ =	shalt  }
0x77: {  	_ =	shalt  }
0x78: {  	_ =	shalt  }
0x79: {  	_ =	shalt  }
0x7a: {  	_ =	shalt  }
0x7b: {  	_ =	shalt  }
0x7c: {  	_ =	shalt  }
0x7d: {  	_ =	shalt  }
0x7e: {  	_ =	shalt  }
0x7f: {  	_ =	shalt  }
0x80: {  	_ =	shalt  }
0x81: {  	_ =	shalt  }
0x82: {  	_ =	shalt  }
0x83: {  	_ =	shalt  }
0x84: {  	_ =	shalt  }
0x85: {  	_ =	shalt  }
0x86: {  	_ =	shalt  }
0x87: {  	_ =	shalt  }
.Lfunc_end0:
.L_simem_size_0:
called_computation.1_lowered:
.L_overlay_start_0:
0x88: {  	s2 =	sld [smem:$0x3FD9]  }
0x89: {  	s3 =	sld [smem:$0x3FFE];
	_ =	sdelay $0x1  }
0x8a: {  	s1 =	srdreg.scid  }
0x8b: {  	s0 =	sand.u32 $0x1, s1  }
0x8c: {  	s17 =	sshll.u32 s0, $0xA;
	s2 =	sadd.s32 s3, s2  }
0x8d: {  	s2 =	sadd.s32 s2, s17  }
0x8e: {  	[smem:$0x3FC1] =	sst s2  }
0x8f: {  	_ = 	snop  }
0x90: {  	s2 =	sld [smem:$0x3FD0];
	(tm) =	ssettm $0x1  }
0x91: {  	s18 =	sld [smem:$0x3FFB];
	_ =	sdelay $0x3  }
0x92: {  	_ =	strace s18  }
0x93: {  	s3 =	sld [smem:$0x3FFC];
	_ =	sdelay $0x3  }
0x94: {  	_ =	strace s3  }
0x95: {  	s3 =	sld [smem:$0x3FFD];
	_ =	sdelay $0x3  }
0x96: {  	_ =	strace s3  }
0x97: {  	_ =	strace $0x8FFFFFFF  }
0x98: {  	s19 =	sld [smem:$0x3FDB];
	_ =	sdelay $0x1  }
0x99: {  	s4 =	simm.s32 $_scs_section_size  }
0x9a: {  	s5 =	simm.s32 $_size__tile_overlayer_lowered;
	s6 =	simm.s32 $_tile_overlayer_lowered  }
0x9b: {  	s22 =	simm.s32 $0x1BFF;
	s21 =	sshll.u32 s6, $0x1;
	s3 =	sadd.s32 s4, s19  }
0x9c: {  	s7 =	simm.s32 $0x0;
	s20 =	sshll.u32 s5, $0x1;
	s5 =	sadd.s32 s21, s3  }
0x9d: {  	[timem:s7], [sflag:s22] =	dma.local [hbm:s5], s20  }
0x9e: {  	_ =	swait.ge [sflag:s22], s20  }
0x9f: {  	s4 =	ssub.s32 $0x0, s20;
	[sflag:s22] =	ssyncset.done $0x0  }
0xa0: {  	[sflag:s22] =	ssyncadd.s32 s4;
	_ =	sdelay $0x1  }
0xa1: {  	s23 =	simm.s32 $0x1B8B  }
0xa2: {  	_ =	swait.ge [sflag:s23], $0x1  }
0xa3: {  	[sflag:s23] =	ssyncset.done $0x0  }
0xa4: {  	s25 =	simm.s32 $0x1B8E;
	s24 =	sld [smem:$0x3FFE];
	[sflag:s23] =	ssyncadd.s32 $0xFFFFFFFF  }
0xa5: {  	s26 =	simm.s32 $execute0_lowered;
	[smem:$0x3FD2] =	sst s25  }
0xa6: {  	s5 =	sshll.u32 s26, $0x1;
	_ =	strace $0x80000046;
	[dreg:$0x1] =	wrdreg $0xFFFFFFFF  }
0xa7: {  	s28 =	simm.s32 $_size_execute0_lowered;
	s3 =	sadd.s32 s3, s5;
	[dreg:$0x0] =	wrdreg $0x0  }
0xa8: {  	s5 =	sshll.u32 s28, $0x1;
	[dreg:$0x2] =	wrdreg s3  }
0xa9: {  	[dreg:$0x3] =	wrdreg s5  }
0xaa: {  	[dreg:$0x4] =	wrdreg $0xC0  }
0xab: {  	_ =	task [dreg:s7], $0x5FFFF  }
0xac: {  	[dreg:$0x1] =	wrdreg $0xFFFFFFFF  }
0xad: {  	[dreg:$0x0] =	wrdreg $0x60  }
0xae: {  	[dreg:$0x2] =	wrdreg s2  }
0xaf: {  	[dreg:$0x3] =	wrdreg s24  }
0xb0: {  	[dreg:$0x4] =	wrdreg $0xA  }
0xb1: {  	_ =	task.clear_ibuf [dreg:s7], $0x5FFFF;
	_ =	strace $0x90000046  }
0xb2: {  	s29 =	simm.s32 $0xA;
	_ =	strace $0x80000048  }
0xb3: {  	_ =	swait.ge [sflag:s29], $0x1  }
0xb4: {  	[sflag:s29] =	ssyncadd.s32 $0xFFFFFFFF  }
0xb5: {  	_ =	strace $0x90000048  }
0xb6: {  	_ =	sfence  }
0xb7: {  	s30 =	sld [smem:$0x0];
	_ =	sdelay $0x2  }
0xb8: {  	s31 =	sshll.u32 s1, $0xD;
	s1 =	sshrl.u32 s1, $0x2  }
0xb9: {  	s3 =	sand.u32 $0x4000, s31;
	s1 =	sadd.s32 s1, s30  }
0xba: {  	s0 =	sor.u32 s3, s0;
	s1 =	sshll.u32 s1, $0x11  }
0xbb: {  	s0 =	sor.u32 s1, s0  }
0xbc: {  	s0 =	sadd.s32 $0x8F2B, s0  }
0xbd: {  	[sflag:s0] =	ssyncadd.remote.s32 $0x1  }
0xbe: {  	_ =	sfence.sel $0xFFFF  }
0xbf: {  	[dreg:$0x0] =	wrdreg $0xFFFFFFFF;
	(pc) =	sbr.abs _section_cstart, $3  }
0xc0: {  	[dreg:$0x1] =	wrdreg $0xFFFFFFFF  }
0xc1: {  	_ =	task.clear_ibuf [dreg:s7], $0x2FFFF;
	_ =	strace $0x9FFFFFFF  }
0xc2: {  	(tm) =	ssettm $0x7FFFFFFF  }
0xc3: {  	_ =	shalt  }
tec
execute0_lowered:
.L_overlay_start_1:
0x0: {  	(tag) =	ssettag $0x1  }
0x1: {  	s2 =	rddreg [dreg:$0x0]  }
0x2: {  	s7 =	rddreg [dreg:$0x1]  }
0x3: {  	s0 =	rddreg [dreg:$0x2]  }
0x4: {  	s1 =	srdreg.scid;
	_ =	strace $0x80000047;
	s4 =	simm.s32 $0x1  }
0x5: {  	s9 =	simm.s32 $0x3;
	s12 =	simm.s32 $0x0;
	s5 =	sshll.u32 s1, $0x4  }
.Ltmp0:
0x6: {  	s1 =	stileid.u32;
	s5 =	sand.u32 $0x10, s5;
	(pc) =	sbr.rel .LBB2_1-.Ltmp0, $4  }
0x7: {  	s10 =	simm.s32 $0x0;
	s3 =	sadd.s32 $0x1800, s7;
	s6 =	sor.u32 s1, s5  }
0x8: {  	[sflag:s4] =	ssyncpa.u1 $0x0;
	s5 =	simm.s32 $0x2;
	s6 =	sshll.u32 s6, $0x8  }
0x9: {  	s7 =	sadd.s32 $0x1C00, s7;
	[sflag:s5] =	ssyncpa.u1 $0x0;
	s8 =	sadd.s32 $0x100, s6  }
0xa: {  	vm0 =	vmmov $0xff;
	vm1 =	vcmask $0x3F20;
	[sflag:s9] =	ssyncpa.u1 $0x0;
	s9 =	simm.s32 $0x100;
	s11 =	smov.u32 s6  }
.LBB2_9:
0xb: {  	p0 =	seq.s32 s10, $0x2  }
.Ltmp1:
0xc: {  	_ = 	snop;
	(pc) =	sbr.rel @p0 .LBB2_11-.Ltmp1, $1  }
0xd: {  	_ =	sdelay $0x3  }
.LBB2_10:
0xe: {  	s12 =	sadd.s32 $0x100, s11  }
0xf: {  	s13 =	smov.u32 s6;
	p0 =	slt.s32 s12, s8  }
0x10: {  	s13 =	smov.u32 @p0 s12  }
0x11: {  	s10 =	sadd.s32 $0x1, s10;
	s12 =	smov.u32 s11;
	s11 =	smov.u32 s13  }
.LBB2_1:
0x12: {  	p0 =	sne.s32 s10, $0x0  }
.Ltmp2:
0x13: {  	_ = 	snop;
	(pc) =	sbr.rel @!p0 .LBB2_2-.Ltmp2, $1  }
0x14: {  	_ =	sdelay $0x3  }
0x15: {  	s13 =	sand.u32 $0x1, s10  }
0x16: {  	p0 =	seq.s32 s13, $0x0  }
.Ltmp3:
0x17: {  	_ = 	snop;
	(pc) =	sbr.rel @p0 .LBB2_9-.Ltmp3, $1  }
0x18: {  	_ =	sdelay $0x3  }
0x19: {  	_ =	swait.ge [sflag:s5], $0x100  }
0x1a: {  	[sflag:s5] =	ssyncset.done $0x0  }
0x1b: {  	s13 =	simm.s32 $0x0;
	[sflag:s5] =	ssyncadd.s32 $0xFFFFFF00  }
0x1c: {  	v0 =	vld.msk [tilespmem:s13+$0x100 ss:$0x1], $0xffff;
	_ =	sdelay $0x4  }
0x1d: {  	vm2 =	vgt.s32 v0, $0x0  }
0x1e: {  	v0 =	vnsel vm2, $0x0, v0  }
0x1f: {  	v0 =	vmin.u32 v0, $0x1FFF  }
0x20: {  	v0 =	vshll.u32 v0, $0x4;
	_ =	sdelay $0x3  }
0x21: {  	s13 =	simm.s32 $0x8200  }
0x22: {  	[tilespmem:s13], [sflag:$0x1] =	stream.indirect_vreg.gather [hbm:s2], $0x80, v0, vm0, $0x38;
	[tilespmem:$0x10200] =	vst v63  }
0x23: {  	s14 =	simm.s32 $0x8600;
	s31 =	simm.s32 $0x10  }
0x24: {  	[tilespmem:s14], [sflag:$0x1] =	stream.indirect_vreg.gather [hbm:s2], $0x80, v0, vm1, $0x38;
	[tilespmem:$0x10200] =	vst v63  }
0x25: {  	s14 =	simm.s32 $0x80;
	v0 =	vld.msk [tilespmem:s31+$0x100 ss:$0x1], $0xffff  }
.LBB2_5:
0x26: {  	p0 =	sne.s32 s14, $0x3C0;
	_ =	sdelay $0x4  }
0x27: {  	vm2 =	vgt.s32 v0, $0x0  }
0x28: {  	v0 =	vnsel vm2, $0x0, v0  }
0x29: {  	v0 =	vmin.u32 v0, $0x1FFF  }
0x2a: {  	v0 =	vshll.u32 v0, $0x4;
	_ =	sdelay $0x3  }
.Ltmp4:
0x2b: {  	s13 =	sadd.s32 $0x800, s13;
	(pc) =	sbr.rel @p0 .LBB2_5-.Ltmp4, $4  }
0x2c: {  	[tilespmem:s13], [sflag:$0x1] =	stream.indirect_vreg.gather [hbm:s2], $0x80, v0, vm0, $0x38;
	[tilespmem:$0x10200] =	vst v63  }
0x2d: {  	s15 =	sshra.s32 s14, $0x2;
	s16 =	sadd.s32 $0x400, s13  }
0x2e: {  	[tilespmem:s16], [sflag:$0x1] =	stream.indirect_vreg.gather [hbm:s2], $0x80, v0, vm1, $0x38;
	[tilespmem:$0x10200] =	vst v63  }
0x2f: {  	s14 =	sadd.s32 $0x40, s14;
	v0 =	vld.msk [tilespmem:s15+$0x100 ss:$0x1], $0xffff  }
0x30: {  	_ =	sdelay $0x3  }
0x31: {  	vm2 =	vgt.s32 v0, $0x0  }
0x32: {  	v0 =	vnsel vm2, $0x0, v0  }
0x33: {  	v0 =	vmin.u32 v0, $0x1FFF  }
0x34: {  	v0 =	vshll.u32 v0, $0x4;
	_ =	sdelay $0x3  }
0x35: {  	s13 =	sadd.s32 $0x800, s13  }
0x36: {  	[tilespmem:s13], [sflag:$0x1] =	stream.indirect_vreg.gather [hbm:s2], $0x80, v0, vm0, $0x38;
	[tilespmem:$0x10200] =	vst v63  }
0x37: {  	s13 =	sadd.s32 $0x400, s13  }
0x38: {  	[tilespmem:s13], [sflag:$0x1] =	stream.indirect_vreg.gather [hbm:s2], $0x80, v0, vm1, $0x38;
	[tilespmem:$0x10200] =	vst v63  }
0x39: {  	s12 =	sshll.u32 s12, $0x4;
	s14 =	simm.s32 $0x80;
	_ =	swait.ge [sflag:s4], $0x8000  }
0x3a: {  	s15 =	simm.s32 $0x8600;
	s12 =	sadd.s32 s12, s7;
	[sflag:s4] =	ssyncset.done $0x0  }
0x3b: {  	s16 =	sadd.s32 $0x0, s12;
	s13 =	simm.s32 $0x8200;
	[sflag:s4] =	ssyncadd.s32 $0xFFFF8000  }
.LBB2_7:
0x3c: {  	[hbm:s16] =	stream.linear.scatter [tilespmem:s13], [sflag:$0x3], $0x400, $0x38;
	[tilespmem:$0x10200] =	vst v63  }
0x3d: {  	s16 =	smov.u32 s14;
	s13 =	smov.u32 s15;
	p0 =	sne.s32 s14, $0xF80  }
.Ltmp5:
0x3e: {  	s14 =	sadd.s32 $0x80, s14;
	(pc) =	sbr.rel @p0 .LBB2_7-.Ltmp5, $2  }
0x3f: {  	_ =	sdelay $0x2  }
0x40: {  	s15 =	sadd.s32 $0x400, s15;
	s16 =	sadd.s32 s16, s12  }
.Ltmp6:
0x41: {  	(pc) =	sbr.rel .LBB2_9-.Ltmp6, $2  }
0x42: {  	_ =	sdelay $0x2  }
0x43: {  	[hbm:s16] =	stream.linear.scatter [tilespmem:s13], [sflag:$0x3], $0x400, $0x38;
	[tilespmem:$0x10200] =	vst v63  }
.LBB2_2:
.Ltmp7:
0x44: {  	(pc) =	sbr.rel .LBB2_10-.Ltmp7, $4  }
0x45: {  	_ = 	snop  }
0x46: {  	s12 =	sshrl.u32 s11, $0x3  }
0x47: {  	s13 =	sand.u32 $0x7, s11;
	s12 =	sadd.s32 s3, s12  }
0x48: {  	[tilespmem:s9], [sflag:$0x2] =	stream.linear.gather [hbm4b:s12+s13], $0x100, $0x38;
	[tilespmem:$0x10200] =	vst v63  }
.LBB2_11:
0x49: {  	s2 =	simm.s32 $0x3  }
0x4a: {  	_ =	swait.ge [sflag:s2], $0x8000  }
0x4b: {  	[sflag:s2] =	ssyncset.done $0x0  }
0x4c: {  	[sflag:s2] =	ssyncadd.s32 $0xFFFF8000  }
0x4d: {  	_ =	sfence.sel $0x180000  }
0x4e: {  	s3 =	simm.s32 $0x2;
	[bflag:$0x0] =	sbarrier.arrive $0xFFFF  }
0x4f: {  	[sflag:s3] =	ssyncpa.u1 $0x1  }
0x50: {  	s31 =	simm.s32 $0x1;
	[sflag:s2] =	ssyncpa.u1 $0x1  }
0x51: {  	[sflag:s31] =	ssyncpa.u1 $0x1  }
0x52: {  	p0 =	sne.s32 s1, $0x0;
	_ =	strace $0x90000047  }
0x53: {  	s0 =	sadd.s32 @!p0 $0x100000, s0;
	[bflag:$0x2] =	sbarrier.arrive $0xFFFF  }
0x54: {  	[sflag:s0] =	ssyncadd.tile.s32 @!p0 $0x1;
	_ =	shalt  }
.Lfunc_end2:
_tile_overlayer_lowered:
.L_overlay_start_2:
0x55: {  	(tag) =	ssettag $0x2  }
0x56: {  	s0 =	rddreg [dreg:$0x0];
	s2 =	stileid.u32  }
0x57: {  	s1 =	rddreg [dreg:$0x1];
	p0 =	sne.s32 s2, $0x0  }
0x58: {  	s3 =	rddreg [dreg:$0x2];
	[bflag:$0x3] =	sbarrier.arrive $0xFFFF;
	s2 =	simm.s32 @!p0 $0x1C01  }
0x59: {  	[timem:s3], [sflag:s2] =	dma.local @!p0 [hbm:s0], s1  }
0x5a: {  	s0 =	simm.s32 @!p0 $0x1  }
0x5b: {  	_ =	swait.ge @!p0 [sflag:s0], s1  }
0x5c: {  	s1 =	ssub.s32 @!p0 $0x0, s1;
	[sflag:s0] =	ssyncset.done @!p0 $0x0  }
0x5d: {  	[sflag:s0] =	ssyncadd.s32 @!p0 s1  }
0x5e: {  	[bflag:$0x3] =	sbarrier.arrive $0xFFFF  }
0x5f: {  	_ =	shalt  }

// kernel: gather_offload_async_start
scs
__scs_entry_jumppad:
0x0: {  	(pc) =	sbr.rel $0x88, $3  }
0x1: {  	(tag) =	ssettag $0x0;
	lr =	simm.s32 $0x1  }
0x2: {  	[smem:$0x3F9A] =	sst lr;
	_ =	strace $0xD0000000  }
0x3: {  	_ = 	snop  }
0x4: {  	_ = 	snop  }
0x5: {  	_ = 	snop  }
0x6: {  	_ = 	snop  }
0x7: {  	_ = 	snop  }
__scs_overlays_trampoline_lowered:
0x8: {  	[smem:$0x3FA9] =	sst s0  }
0x9: {  	[smem:$0x3FAA] =	sst s1  }
0xa: {  	[smem:$0x3FAB] =	sst s2  }
0xb: {  	[smem:$0x3FAC] =	sst s3  }
0xc: {  	[smem:$0x3FAD] =	sst s4  }
0xd: {  	[smem:$0x3FAE] =	sst s5  }
0xe: {  	[smem:$0x3FAF] =	sst s6  }
0xf: {  	[smem:$0x3FB0] =	sst s7  }
0x10: {  	[smem:$0x3FB1] =	sst s8  }
0x11: {  	[smem:$0x3FB2] =	sst s9;
	s0 =	simm.s32 @!p0 $0x0  }
0x12: {  	s1 =	sld [smem:$0x3F98];
	s0 =	simm.s32 @p0 $0x1  }
0x13: {  	[smem:$0x3FB3] =	sst s0;
	s0 =	simm.s32 @!p1 $0x0  }
0x14: {  	s2 =	sld [smem:$0x3F97];
	s0 =	simm.s32 @p1 $0x1  }
0x15: {  	[smem:$0x3FB4] =	sst s0;
	s0 =	simm.s32 @!p2 $0x0  }
0x16: {  	s3 =	sld [smem:$0x3FDB];
	s0 =	simm.s32 @p2 $0x1  }
0x17: {  	s4 =	simm.s32 $0x1BF5;
	[smem:$0x3FB6] =	sst s0  }
0x18: {  	s0 =	sld [smem:$0x3F99];
	_ =	swait.ge [sflag:s4], $0x0  }
0x19: {  	s7 =	sld [smem:$0x3F9A]  }
0x1a: {  	s8 =	sadd.s32 $0xFFFFE003, lr  }
0x1b: {  	s9 =	sadd.s32 $0xFFFFFEF7, lr;
	s5 =	simm.s32 $0xFFFFFFFF;
	p2 =	slt.u32 s8, $0xFFFFF086  }
0x1c: {  	p1 =	slt.u32 s9, $0xF7A;
	s5 =	simm.s32 @!p2 $0x0  }
0x1d: {  	s5 =	simm.s32 @p1 $0x1;
	p0 =	seq.s32 s7, s2  }
0x1e: {  	s7 =	smul.u32 @!p0 $0xF7A, s2;
	p2 =	seq.s32 @!p0 s5, $0x0  }
0x1f: {  	s9 =	smul.u32 $0xF7A, s1;
	s8 =	simm.s32 @!p0 $0x1BF5;
	p2 =	por !p2, p0  }
0x20: {  	[sflag:s8] =	ssyncset.s32 @!p0 $0xFFFFF086;
	s6 =	sadd.s32 @!p0 s3, s7;
	s7 =	simm.s32 @!p0 $0x108  }
0x21: {  	s3 =	sadd.s32 s3, s9;
	s6 =	sadd.s32 @!p0 $0x88, s6;
	s7 =	simm.s32 @p2 $0x1082  }
0x22: {  	[simem:s7], [sflag:s8] =	dma.local @!p0 [hbm:s6], $0xF7A  }
0x23: {  	s9 =	sor.u32 $0xD0000000, s2;
	s6 =	simm.s32 $0x108;
	_ =	swait.ge @!p0 [sflag:s8], $0x0  }
0x24: {  	s3 =	sadd.s32 $0x88, s3;
	s6 =	simm.s32 @!p1 $0x1082;
	[sflag:s4] =	ssyncset.s32 $0xFFFFF086  }
0x25: {  	[simem:s6], [sflag:s4] =	dma.local [hbm:s3], $0xF7A  }
0x26: {  	[smem:$0x3F9A] =	sst s1;
	(tag) =	ssettag s2;
	_ =	strace s9  }
0x27: {  	s1 =	sld [smem:$0x3FAA]  }
0x28: {  	s2 =	sld [smem:$0x3FAB]  }
0x29: {  	s4 =	sld [smem:$0x3FAD]  }
0x2a: {  	p0 =	seq.s32 s5, $0x0;
	s5 =	sld [smem:$0x3FAE]  }
0x2b: {  	s6 =	sld [smem:$0x3FAF]  }
0x2c: {  	s7 =	sld [smem:$0x3FB0]  }
0x2d: {  	s3 =	simm.s32 $0x108;
	s8 =	sld [smem:$0x3FB1]  }
0x2e: {  	s3 =	simm.s32 @!p0 $0x1082;
	s9 =	sld [smem:$0x3FB2]  }
0x2f: {  	lr =	sadd.s32 s0, s3;
	s0 =	sld [smem:$0x3FA9]  }
0x30: {  	s3 =	sld [smem:$0x3FAC]  }
0x31: {  	[smem:$0x3FB5] =	sst s10  }
0x32: {  	s10 =	sld [smem:$0x3FB3];
	_ =	sdelay $0x3  }
0x33: {  	p0 =	seq.s32 s10, $0x1;
	s10 =	sld [smem:$0x3FB5];
	_ =	sdelay $0x3  }
0x34: {  	[smem:$0x3FB5] =	sst s10  }
0x35: {  	s10 =	sld [smem:$0x3FB4];
	_ =	sdelay $0x3  }
0x36: {  	p1 =	seq.s32 s10, $0x1;
	s10 =	sld [smem:$0x3FB5];
	_ =	sdelay $0x3  }
0x37: {  	[smem:$0x3FB5] =	sst s10  }
0x38: {  	s10 =	sld [smem:$0x3FB6]  }
0x39: {  	_ = 	snop;
	(pc) =	sbr.ind lr, $3  }
0x3a: {  	_ = 	snop  }
0x3b: {  	_ = 	snop  }
0x3c: {  	p2 =	seq.s32 s10, $0x1;
	s10 =	sld [smem:$0x3FB5]  }
0x3d: {  	_ =	shalt  }
0x3e: {  	_ =	shalt  }
0x3f: {  	_ =	shalt  }
0x40: {  	_ =	shalt  }
0x41: {  	_ =	shalt  }
0x42: {  	_ =	shalt  }
0x43: {  	_ =	shalt  }
0x44: {  	_ =	shalt  }
0x45: {  	_ =	shalt  }
0x46: {  	_ =	shalt  }
0x47: {  	_ =	shalt  }
0x48: {  	_ =	shalt  }
0x49: {  	_ =	shalt  }
0x4a: {  	_ =	shalt  }
0x4b: {  	_ =	shalt  }
0x4c: {  	_ =	shalt  }
0x4d: {  	_ =	shalt  }
0x4e: {  	_ =	shalt  }
0x4f: {  	_ =	shalt  }
0x50: {  	_ =	shalt  }
0x51: {  	_ =	shalt  }
0x52: {  	_ =	shalt  }
0x53: {  	_ =	shalt  }
0x54: {  	_ =	shalt  }
0x55: {  	_ =	shalt  }
0x56: {  	_ =	shalt  }
0x57: {  	_ =	shalt  }
0x58: {  	_ =	shalt  }
0x59: {  	_ =	shalt  }
0x5a: {  	_ =	shalt  }
0x5b: {  	_ =	shalt  }
0x5c: {  	_ =	shalt  }
0x5d: {  	_ =	shalt  }
0x5e: {  	_ =	shalt  }
0x5f: {  	_ =	shalt  }
0x60: {  	_ =	shalt  }
0x61: {  	_ =	shalt  }
0x62: {  	_ =	shalt  }
0x63: {  	_ =	shalt  }
0x64: {  	_ =	shalt  }
0x65: {  	_ =	shalt  }
0x66: {  	_ =	shalt  }
0x67: {  	_ =	shalt  }
0x68: {  	_ =	shalt  }
0x69: {  	_ =	shalt  }
0x6a: {  	_ =	shalt  }
0x6b: {  	_ =	shalt  }
0x6c: {  	_ =	shalt  }
0x6d: {  	_ =	shalt  }
0x6e: {  	_ =	shalt  }
0x6f: {  	_ =	shalt  }
0x70: {  	_ =	shalt  }
0x71: {  	_ =	shalt  }
0x72: {  	_ =	shalt  }
0x73: {  	_ =	shalt  }
0x74: {  	_ =	shalt  }
0x75: {  	_ =	shalt  }
0x76: {  	_ =	shalt  }
0x77: {  	_ =	shalt  }
0x78: {  	_ =	shalt  }
0x79: {  	_ =	shalt  }
0x7a: {  	_ =	shalt  }
0x7b: {  	_ =	shalt  }
0x7c: {  	_ =	shalt  }
0x7d: {  	_ =	shalt  }
0x7e: {  	_ =	shalt  }
0x7f: {  	_ =	shalt  }
0x80: {  	_ =	shalt  }
0x81: {  	_ =	shalt  }
0x82: {  	_ =	shalt  }
0x83: {  	_ =	shalt  }
0x84: {  	_ =	shalt  }
0x85: {  	_ =	shalt  }
0x86: {  	_ =	shalt  }
0x87: {  	_ =	shalt  }
.Lfunc_end0:
.L_simem_size_0:
called_computation_lowered:
.L_overlay_start_0:
0x88: {  	s2 =	sld [smem:$0x3FD9]  }
0x89: {  	s3 =	sld [smem:$0x3FFE];
	_ =	sdelay $0x1  }
0x8a: {  	s1 =	srdreg.scid  }
0x8b: {  	s0 =	sand.u32 $0x1, s1  }
0x8c: {  	s17 =	sshll.u32 s0, $0xA;
	s2 =	sadd.s32 s3, s2  }
0x8d: {  	s2 =	sadd.s32 s2, s17  }
0x8e: {  	[smem:$0x3FC1] =	sst s2  }
0x8f: {  	_ = 	snop  }
0x90: {  	(tm) =	ssettm $0x1  }
0x91: {  	s18 =	sld [smem:$0x3FFB];
	_ =	sdelay $0x3  }
0x92: {  	_ =	strace s18  }
0x93: {  	s2 =	sld [smem:$0x3FFC];
	_ =	sdelay $0x3  }
0x94: {  	_ =	strace s2  }
0x95: {  	s2 =	sld [smem:$0x3FFD];
	_ =	sdelay $0x3  }
0x96: {  	_ =	strace s2  }
0x97: {  	_ =	strace $0x8FFFFFFF  }
0x98: {  	s19 =	sld [smem:$0x3FDB];
	_ =	sdelay $0x1  }
0x99: {  	s20 =	simm.s32 $_scs_section_size  }
0x9a: {  	s4 =	simm.s32 $_size__tile_overlayer_lowered;
	s5 =	simm.s32 $_tile_overlayer_lowered  }
0x9b: {  	s6 =	simm.s32 $0x1BFF;
	s21 =	sshll.u32 s5, $0x1;
	s3 =	sadd.s32 s20, s19  }
0x9c: {  	s22 =	simm.s32 $0x0;
	s4 =	sshll.u32 s4, $0x1;
	s5 =	sadd.s32 s21, s3  }
0x9d: {  	[timem:s22], [sflag:s6] =	dma.local [hbm:s5], s4  }
0x9e: {  	_ =	swait.ge [sflag:s6], s4  }
0x9f: {  	s4 =	ssub.s32 $0x0, s4;
	[sflag:s6] =	ssyncset.done $0x0  }
0xa0: {  	[sflag:s6] =	ssyncadd.s32 s4;
	_ =	sdelay $0x1  }
0xa1: {  	s23 =	simm.s32 $0x1B8B  }
0xa2: {  	_ =	swait.ge [sflag:s23], $0x1  }
0xa3: {  	[sflag:s23] =	ssyncset.done $0x0  }
0xa4: {  	[sflag:s23] =	ssyncadd.s32 $0xFFFFFFFF  }
0xa5: {  	s4 =	sld [smem:$0x0]  }
0xa6: {  	s5 =	sand.u32 $0xFFFFFFFE, s1  }
0xa7: {  	p0 =	sne.s32 s1, s5  }
0xa8: {  	s5 =	sshll.u32 @p0 s5, $0xE  }
0xa9: {  	s5 =	sadd.s32 @p0 $0x11B8D, s5;
	s6 =	sshll.u32 @p0 s4, $0x11  }
0xaa: {  	s5 =	sor.u32 @p0 s6, s5  }
0xab: {  	[sflag:s5] =	ssyncadd.remote.s32 @p0 $0x1;
	_ =	sdelay $0x1  }
0xac: {  	s5 =	simm.s32 @p0 $0x1B8D  }
0xad: {  	_ =	swait.eq @p0 [sflag:s5], $0x1  }
0xae: {  	[sflag:s5] =	ssyncadd.s32 @p0 $0xFFFFFFFF  }
0xaf: {  	s6 =	sshll.u32 @!p0 s1, $0xE  }
0xb0: {  	s6 =	sor.u32 @!p0 $0x4000, s6;
	s5 =	simm.s32 @!p0 $0x1B8D  }
0xb1: {  	s4 =	sshll.u32 @!p0 s4, $0x11;
	s6 =	sadd.s32 @!p0 $0x11B8D, s6;
	_ =	swait.eq @!p0 [sflag:s5], $0x1  }
0xb2: {  	s4 =	sor.u32 @!p0 s4, s6;
	[sflag:s5] =	ssyncadd.s32 @!p0 $0xFFFFFFFF  }
0xb3: {  	s25 =	simm.s32 $0x1B8E;
	s24 =	sld [smem:$0x3FFE];
	[sflag:s4] =	ssyncadd.remote.s32 @!p0 $0x1  }
0xb4: {  	s26 =	simm.s32 $execute0_lowered;
	[smem:$0x3FD2] =	sst s25  }
0xb5: {  	s5 =	sshll.u32 s26, $0x1;
	_ =	strace $0x80000049;
	[dreg:$0x1] =	wrdreg $0xFFFFFFFF  }
0xb6: {  	s28 =	simm.s32 $_size_execute0_lowered;
	s3 =	sadd.s32 s3, s5;
	[dreg:$0x0] =	wrdreg $0x0  }
0xb7: {  	s5 =	sshll.u32 s28, $0x1;
	[dreg:$0x2] =	wrdreg s3  }
0xb8: {  	[dreg:$0x3] =	wrdreg s5  }
0xb9: {  	[dreg:$0x4] =	wrdreg $0xC0  }
0xba: {  	_ =	task [dreg:s22], $0x5FFFF  }
0xbb: {  	[dreg:$0x1] =	wrdreg $0xFFFFFFFF  }
0xbc: {  	[dreg:$0x0] =	wrdreg $0x60  }
0xbd: {  	[dreg:$0x2] =	wrdreg s24  }
0xbe: {  	[dreg:$0x3] =	wrdreg $0x9  }
0xbf: {  	_ =	task.clear_ibuf [dreg:s22], $0x4FFFF;
	_ =	strace $0x90000049  }
0xc0: {  	s29 =	simm.s32 $0x9;
	_ =	strace $0x8000004B  }
0xc1: {  	_ =	swait.ge [sflag:s29], $0x1  }
0xc2: {  	[sflag:s29] =	ssyncadd.s32 $0xFFFFFFFF  }
0xc3: {  	_ =	strace $0x9000004B  }
0xc4: {  	_ =	sfence  }
0xc5: {  	s30 =	sld [smem:$0x0];
	_ =	sdelay $0x2  }
0xc6: {  	s31 =	sshll.u32 s1, $0xD;
	s1 =	sshrl.u32 s1, $0x2  }
0xc7: {  	s4 =	sand.u32 $0x4000, s31;
	s1 =	sadd.s32 s1, s30  }
0xc8: {  	s0 =	sor.u32 s4, s0;
	s1 =	sshll.u32 s1, $0x11  }
0xc9: {  	s0 =	sor.u32 s1, s0  }
0xca: {  	s0 =	sadd.s32 $0x8F2B, s0  }
0xcb: {  	[sflag:s0] =	ssyncadd.remote.s32 $0x1  }
0xcc: {  	_ =	sfence.sel $0xFFFF  }
0xcd: {  	[dreg:$0x0] =	wrdreg $0xFFFFFFFF;
	(pc) =	sbr.abs _section_cstart, $3  }
0xce: {  	[dreg:$0x1] =	wrdreg $0xFFFFFFFF  }
0xcf: {  	_ =	task.clear_ibuf [dreg:s22], $0x2FFFF;
	_ =	strace $0x9FFFFFFF  }
0xd0: {  	(tm) =	ssettm $0x7FFFFFFF  }
0xd1: {  	_ =	shalt  }
tec
execute0_lowered:
.L_overlay_start_1:
0x0: {  	(tag) =	ssettag $0x1  }
0x1: {  	s7 =	rddreg [dreg:$0x0]  }
0x2: {  	s0 =	rddreg [dreg:$0x1];
	_ =	strace $0x8000004A  }
0x3: {  	s1 =	srdreg.scid;
	s4 =	simm.s32 $0x1;
	s9 =	simm.s32 $0x3  }
0x4: {  	s12 =	simm.s32 $0x0;
	s10 =	simm.s32 $0x0;
	s5 =	sshll.u32 s1, $0x4  }
.Ltmp0:
0x5: {  	s1 =	stileid.u32;
	s5 =	sand.u32 $0x10, s5;
	(pc) =	sbr.rel .LBB2_1-.Ltmp0, $4  }
0x6: {  	s2 =	sadd.s32 $0x21C00, s7;
	s3 =	sadd.s32 $0x1800, s7;
	s6 =	sor.u32 s1, s5  }
0x7: {  	[sflag:s4] =	ssyncpa.u1 $0x0;
	s5 =	simm.s32 $0x2;
	s6 =	sshll.u32 s6, $0x8  }
0x8: {  	s7 =	sadd.s32 $0x41C00, s7;
	[sflag:s5] =	ssyncpa.u1 $0x0;
	s8 =	sadd.s32 $0x100, s6  }
0x9: {  	vm0 =	vmmov $0xff;
	vm1 =	vcmask $0x3F20;
	[sflag:s9] =	ssyncpa.u1 $0x0;
	s9 =	simm.s32 $0x100;
	s11 =	smov.u32 s6  }
.LBB2_9:
0xa: {  	p0 =	seq.s32 s10, $0x2  }
.Ltmp1:
0xb: {  	_ = 	snop;
	(pc) =	sbr.rel @p0 .LBB2_11-.Ltmp1, $1  }
0xc: {  	_ =	sdelay $0x3  }
.LBB2_10:
0xd: {  	s12 =	sadd.s32 $0x100, s11  }
0xe: {  	s13 =	smov.u32 s6;
	p0 =	slt.s32 s12, s8  }
0xf: {  	s13 =	smov.u32 @p0 s12  }
0x10: {  	s10 =	sadd.s32 $0x1, s10;
	s12 =	smov.u32 s11;
	s11 =	smov.u32 s13  }
.LBB2_1:
0x11: {  	p0 =	sne.s32 s10, $0x0  }
.Ltmp2:
0x12: {  	_ = 	snop;
	(pc) =	sbr.rel @!p0 .LBB2_2-.Ltmp2, $1  }
0x13: {  	_ =	sdelay $0x3  }
0x14: {  	s13 =	sand.u32 $0x1, s10  }
0x15: {  	p0 =	seq.s32 s13, $0x0  }
.Ltmp3:
0x16: {  	_ = 	snop;
	(pc) =	sbr.rel @p0 .LBB2_9-.Ltmp3, $1  }
0x17: {  	_ =	sdelay $0x3  }
0x18: {  	_ =	swait.ge [sflag:s5], $0x100  }
0x19: {  	[sflag:s5] =	ssyncset.done $0x0  }
0x1a: {  	s13 =	simm.s32 $0x0;
	[sflag:s5] =	ssyncadd.s32 $0xFFFFFF00  }
0x1b: {  	v0 =	vld.msk [tilespmem:s13+$0x100 ss:$0x1], $0xffff;
	_ =	sdelay $0x4  }
0x1c: {  	vm2 =	vgt.s32 v0, $0x0  }
0x1d: {  	v0 =	vnsel vm2, $0x0, v0  }
0x1e: {  	v0 =	vmin.u32 v0, $0x1FFF  }
0x1f: {  	v0 =	vshll.u32 v0, $0x4;
	_ =	sdelay $0x3  }
0x20: {  	s13 =	simm.s32 $0x8200  }
0x21: {  	[tilespmem:s13], [sflag:$0x1] =	stream.indirect_vreg.gather [hbm:s2], $0x80, v0, vm0, $0x38;
	[tilespmem:$0x10200] =	vst v63  }
0x22: {  	s14 =	simm.s32 $0x8600;
	s31 =	simm.s32 $0x10  }
0x23: {  	[tilespmem:s14], [sflag:$0x1] =	stream.indirect_vreg.gather [hbm:s2], $0x80, v0, vm1, $0x38;
	[tilespmem:$0x10200] =	vst v63  }
0x24: {  	s14 =	simm.s32 $0x80;
	v0 =	vld.msk [tilespmem:s31+$0x100 ss:$0x1], $0xffff  }
.LBB2_5:
0x25: {  	p0 =	sne.s32 s14, $0x3C0;
	_ =	sdelay $0x4  }
0x26: {  	vm2 =	vgt.s32 v0, $0x0  }
0x27: {  	v0 =	vnsel vm2, $0x0, v0  }
0x28: {  	v0 =	vmin.u32 v0, $0x1FFF  }
0x29: {  	v0 =	vshll.u32 v0, $0x4;
	_ =	sdelay $0x3  }
.Ltmp4:
0x2a: {  	s13 =	sadd.s32 $0x800, s13;
	(pc) =	sbr.rel @p0 .LBB2_5-.Ltmp4, $4  }
0x2b: {  	[tilespmem:s13], [sflag:$0x1] =	stream.indirect_vreg.gather [hbm:s2], $0x80, v0, vm0, $0x38;
	[tilespmem:$0x10200] =	vst v63  }
0x2c: {  	s15 =	sshra.s32 s14, $0x2;
	s16 =	sadd.s32 $0x400, s13  }
0x2d: {  	[tilespmem:s16], [sflag:$0x1] =	stream.indirect_vreg.gather [hbm:s2], $0x80, v0, vm1, $0x38;
	[tilespmem:$0x10200] =	vst v63  }
0x2e: {  	s14 =	sadd.s32 $0x40, s14;
	v0 =	vld.msk [tilespmem:s15+$0x100 ss:$0x1], $0xffff  }
0x2f: {  	_ =	sdelay $0x3  }
0x30: {  	vm2 =	vgt.s32 v0, $0x0  }
0x31: {  	v0 =	vnsel vm2, $0x0, v0  }
0x32: {  	v0 =	vmin.u32 v0, $0x1FFF  }
0x33: {  	v0 =	vshll.u32 v0, $0x4;
	_ =	sdelay $0x3  }
0x34: {  	s13 =	sadd.s32 $0x800, s13  }
0x35: {  	[tilespmem:s13], [sflag:$0x1] =	stream.indirect_vreg.gather [hbm:s2], $0x80, v0, vm0, $0x38;
	[tilespmem:$0x10200] =	vst v63  }
0x36: {  	s13 =	sadd.s32 $0x400, s13  }
0x37: {  	[tilespmem:s13], [sflag:$0x1] =	stream.indirect_vreg.gather [hbm:s2], $0x80, v0, vm1, $0x38;
	[tilespmem:$0x10200] =	vst v63  }
0x38: {  	s12 =	sshll.u32 s12, $0x4;
	s14 =	simm.s32 $0x80;
	_ =	swait.ge [sflag:s4], $0x8000  }
0x39: {  	s15 =	simm.s32 $0x8600;
	s12 =	sadd.s32 s12, s7;
	[sflag:s4] =	ssyncset.done $0x0  }
0x3a: {  	s16 =	sadd.s32 $0x0, s12;
	s13 =	simm.s32 $0x8200;
	[sflag:s4] =	ssyncadd.s32 $0xFFFF8000  }
.LBB2_7:
0x3b: {  	[hbm:s16] =	stream.linear.scatter [tilespmem:s13], [sflag:$0x3], $0x400, $0x38;
	[tilespmem:$0x10200] =	vst v63  }
0x3c: {  	s16 =	smov.u32 s14;
	s13 =	smov.u32 s15;
	p0 =	sne.s32 s14, $0xF80  }
.Ltmp5:
0x3d: {  	s14 =	sadd.s32 $0x80, s14;
	(pc) =	sbr.rel @p0 .LBB2_7-.Ltmp5, $2  }
0x3e: {  	_ =	sdelay $0x2  }
0x3f: {  	s15 =	sadd.s32 $0x400, s15;
	s16 =	sadd.s32 s16, s12  }
.Ltmp6:
0x40: {  	(pc) =	sbr.rel .LBB2_9-.Ltmp6, $2  }
0x41: {  	_ =	sdelay $0x2  }
0x42: {  	[hbm:s16] =	stream.linear.scatter [tilespmem:s13], [sflag:$0x3], $0x400, $0x38;
	[tilespmem:$0x10200] =	vst v63  }
.LBB2_2:
.Ltmp7:
0x43: {  	(pc) =	sbr.rel .LBB2_10-.Ltmp7, $4  }
0x44: {  	_ = 	snop  }
0x45: {  	s12 =	sshrl.u32 s11, $0x3  }
0x46: {  	s13 =	sand.u32 $0x7, s11;
	s12 =	sadd.s32 s3, s12  }
0x47: {  	[tilespmem:s9], [sflag:$0x2] =	stream.linear.gather [hbm4b:s12+s13], $0x100, $0x38;
	[tilespmem:$0x10200] =	vst v63  }
.LBB2_11:
0x48: {  	s2 =	simm.s32 $0x3  }
0x49: {  	_ =	swait.ge [sflag:s2], $0x8000  }
0x4a: {  	[sflag:s2] =	ssyncset.done $0x0  }
0x4b: {  	[sflag:s2] =	ssyncadd.s32 $0xFFFF8000  }
0x4c: {  	_ =	sfence.sel $0x180000  }
0x4d: {  	s3 =	simm.s32 $0x2;
	[bflag:$0x0] =	sbarrier.arrive $0xFFFF  }
0x4e: {  	[sflag:s3] =	ssyncpa.u1 $0x1  }
0x4f: {  	s31 =	simm.s32 $0x1;
	[sflag:s2] =	ssyncpa.u1 $0x1  }
0x50: {  	[sflag:s31] =	ssyncpa.u1 $0x1  }
0x51: {  	p0 =	sne.s32 s1, $0x0;
	_ =	strace $0x9000004A  }
0x52: {  	s0 =	sadd.s32 @!p0 $0x100000, s0;
	[bflag:$0x2] =	sbarrier.arrive $0xFFFF  }
0x53: {  	[sflag:s0] =	ssyncadd.tile.s32 @!p0 $0x1;
	_ =	shalt  }
.Lfunc_end2:
_tile_overlayer_lowered:
.L_overlay_start_2:
0x54: {  	(tag) =	ssettag $0x2  }
0x55: {  	s0 =	rddreg [dreg:$0x0];
	s2 =	stileid.u32  }
0x56: {  	s1 =	rddreg [dreg:$0x1];
	p0 =	sne.s32 s2, $0x0  }
0x57: {  	s3 =	rddreg [dreg:$0x2];
	[bflag:$0x3] =	sbarrier.arrive $0xFFFF;
	s2 =	simm.s32 @!p0 $0x1C01  }
0x58: {  	[timem:s3], [sflag:s2] =	dma.local @!p0 [hbm:s0], s1  }
0x59: {  	s0 =	simm.s32 @!p0 $0x1  }
0x5a: {  	_ =	swait.ge @!p0 [sflag:s0], s1  }
0x5b: {  	s1 =	ssub.s32 @!p0 $0x0, s1;
	[sflag:s0] =	ssyncset.done @!p0 $0x0  }
0x5c: {  	[sflag:s0] =	ssyncadd.s32 @!p0 s1  }
0x5d: {  	[bflag:$0x3] =	sbarrier.arrive $0xFFFF  }
0x5e: {  	_ =	shalt  }

</sc_bundles>
